<compile_context>
chip_gen: v7x
topology: tpu7x:2x2x1
jax: 0.10.2.dev20260603
libtpu: 0.0.44.dev20260713+nightly
codegen_flags: <defaults>
</compile_context>

<pallas_src>
import functools

import jax
import jax.numpy as jnp
from jax import lax
from jax.experimental import pallas as pl
from jax.experimental.pallas import tpu as pltpu
from jax.experimental.pallas import tpu_sc as plsc

_MARGIN = 1.0
_N = 65536
_D = 32
_DA = _D + 2
_K = 5000
_KPAD = 5120
_RB = 512
_CB = 2048
_NRB = _KPAD // _RB
_NCB = _N // _CB


_NC = 2
_NS = 16
_RPT = _KPAD // (_NC * _NS)
_SCH = _N // (_NC * _NS)
_V = 16


def _sc_body(data_hbm, labels_hbm, idx_hbm, emb_hbm, rows_hbm, scal_hbm,
             dchunk, lchunk, myidx, rows_v, scalv, sem):
    cid = lax.axis_index("c")
    sid = lax.axis_index("s")
    wid = sid * _NC + cid

    pltpu.sync_copy(data_hbm.at[pl.ds(wid * _SCH, _SCH)], dchunk)
    pltpu.sync_copy(labels_hbm.at[pl.ds(wid * _SCH, _SCH)], lchunk)
    zv = jnp.zeros((_V,), jnp.float32)
    ones_f = jnp.ones((_V,), jnp.float32)

    def _vec(v, carry2):
        countf, npos, psum = carry2
        d = dchunk[pl.ds(v * _V, _V)]
        lab = lchunk[pl.ds(v * _V, _V)]
        posm = jnp.where(lab != 0, ones_f, zv)
        npos = npos + posm
        psum = psum + d * d * posm
        hard = (lab == 0) & (d < _MARGIN)
        countf = countf + jnp.where(hard, ones_f, zv)
        return countf, npos, psum

    countf, npos, psum = lax.fori_loop(0, _SCH // _V, _vec, (zv, zv, zv))
    scalv[0, :] = countf
    scalv[1, :] = npos
    scalv[2, :] = psum
    pltpu.sync_copy(scalv, scal_hbm.at[pl.ds(wid * 8, 8)])

    pltpu.sync_copy(idx_hbm.at[pl.ds(wid * _RPT, _RPT)], myidx)
    pltpu.async_copy(emb_hbm.at[myidx], rows_v, sem).wait()
    pltpu.sync_copy(rows_v, rows_hbm.at[pl.ds(wid * _RPT, _RPT)])


_sc_stage = functools.partial(
    pl.kernel,
    mesh=plsc.VectorSubcoreMesh(core_axis_name="c", subcore_axis_name="s"),
    out_type=[
        jax.ShapeDtypeStruct((_KPAD, 128), jnp.float32),
        jax.ShapeDtypeStruct((_NC * _NS * 8, _V), jnp.float32),
    ],
    scratch_types=[
        pltpu.VMEM((_SCH,), jnp.float32),
        pltpu.VMEM((_SCH,), jnp.int32),
        pltpu.VMEM((_RPT,), jnp.int32),
        pltpu.VMEM((_RPT, 128), jnp.float32),
        pltpu.VMEM((8, _V), jnp.float32),
        pltpu.SemaphoreType.DMA,
    ],
)(_sc_body)


def _tc_body(scal_ref, a_ref, b_ref, out_ref):
    i = pl.program_id(0)
    j = pl.program_id(1)
    count_f = scal_ref[0]
    n_pos = scal_ref[1]
    pos_sum = scal_ref[2]

    @pl.when((i == 0) & (j == 0))
    def _init():
        out_ref[...] = jnp.zeros((1, 1), jnp.float32)

    @pl.when(jnp.float32(i * _RB) < count_f)
    def _compute():
        a = a_ref[...]
        b = b_ref[...]
        d2 = jax.lax.dot_general(a, b, (((1,), (1,)), ((), ())),
                                 preferred_element_type=jnp.float32)
        d2 = jnp.maximum(d2, 1e-12)
        dist = d2 * jax.lax.rsqrt(d2)
        m = jnp.maximum(_MARGIN - dist, 0.0)
        out_ref[...] += jnp.sum(m * m, keepdims=True)

    @pl.when((i == _NRB - 1) & (j == _NCB - 1))
    def _finish():
        total = out_ref[...]
        n_hard = jnp.minimum(count_f, jnp.float32(_K))
        neg = jnp.where(count_f > 0.0, total / (n_hard * n_pos),
                        jnp.zeros((1, 1), jnp.float32))
        out_ref[...] = pos_sum / n_pos + neg


_tc_call = pl.pallas_call(
    _tc_body,
    grid=(_NRB, _NCB),
    in_specs=[
        pl.BlockSpec(memory_space=pltpu.SMEM),
        pl.BlockSpec((_RB, _DA), lambda i, j: (i, 0)),
        pl.BlockSpec((_CB, _DA), lambda i, j: (j, 0)),
    ],
    out_specs=pl.BlockSpec((1, 1), lambda i, j: (0, 0)),
    out_shape=jax.ShapeDtypeStruct((1, 1), jnp.float32),
)


def kernel(data, embeddings, labels):
    hard = (labels == 0) & (data < _MARGIN)
    (idx,) = jnp.nonzero(hard, size=_K, fill_value=0)
    idx = jnp.pad(idx, (0, _KPAD - _K)).astype(jnp.int32)
    emb128 = jnp.pad(embeddings, ((0, 0), (0, 128 - _D)))
    rows128, lanes = _sc_stage(data, labels, idx, emb128)
    rows = rows128[:, :_D]
    lanes3 = lanes.reshape(_NC * _NS, 8, _V)
    count_f = jnp.sum(lanes3[:, 0, :])
    scal = jnp.zeros((16,), jnp.float32)
    scal = scal.at[0].set(count_f)
    scal = scal.at[1].set(jnp.sum(lanes3[:, 1, :]))
    scal = scal.at[2].set(jnp.sum(lanes3[:, 2, :]))

    rowid = jnp.arange(_KPAD, dtype=jnp.float32)[:, None]
    row_invalid = (rowid >= jnp.minimum(count_f, _K)).astype(jnp.float32)
    ones_r = jnp.ones((_KPAD, 1), jnp.float32)
    a2 = jnp.sum(rows * rows, axis=1, keepdims=True) + row_invalid * 1e30
    a_aug = jnp.concatenate([rows * -2.0, a2, ones_r], axis=1)

    posf = (labels != 0).astype(jnp.float32)
    ones_c = jnp.ones((_N, 1), jnp.float32)
    b2 = (jnp.sum(embeddings * embeddings, axis=1, keepdims=True)
          + (1.0 - posf)[:, None] * 1e30)
    b_aug = jnp.concatenate([embeddings, ones_c, b2], axis=1)

    out = _tc_call(scal, a_aug, b_aug)
    return out[0, 0]

# --- scband reference (transcript-rebuilt; emitter-appended) ---
"""Pipeline reference for scband-contrastive-loss-60954175864945 (READ-ONLY COPY).

The authoritative reference and input builder live on the scoring server;
editing this copy changes nothing except your own understanding.
"""

import jax, jax.numpy as jnp
import numpy as np

MARGIN = 1.0
WEIGHTS = jnp.array([1.0, 1.0], dtype=jnp.float32)
IGNORE_INDEX = -1


def _cdist(a, b):
    # Euclidean pairwise distance, matching torch.cdist(p=2)
    a2 = jnp.sum(a * a, axis=1, keepdims=True)
    b2 = jnp.sum(b * b, axis=1)
    d2 = a2 + b2[None, :] - 2.0 * (a @ b.T)
    return jnp.sqrt(jnp.maximum(d2, 1e-12))


def setup_inputs(seed: int = 0) -> dict:
    key = jax.random.key(seed)
    k1, k2, k3 = jax.random.split(key, 3)
    data = jax.random.normal(k1, (65536,), dtype=jnp.float32)
    embeddings = jax.random.normal(k2, (65536, 32), dtype=jnp.float32)
    labels = jax.random.randint(k3, (65536,), 0, 2, dtype=jnp.int32)
    return {"data": data, "embeddings": embeddings, "labels": labels}


def reference(data, embeddings, labels):
    # (data is 1-D, labels is 1-D, so the shape-4/shape-3 flatten branches are no-ops)
    keep = labels != IGNORE_INDEX
    # original code recomputes the mask on the filtered labels (all True here)
    keep2 = keep & (labels != IGNORE_INDEX)

    pos_mask = keep2 & (labels != 0)
    pos_f = pos_mask.astype(jnp.float32)
    n_pos = jnp.sum(pos_f)

    # miner_hard_neg
    neg_mask = keep2 & ((1 - labels) != 0)
    hard_mask = neg_mask & (data < MARGIN)
    count = jnp.sum(hard_mask.astype(jnp.int32))

    (idx,) = jnp.nonzero(hard_mask, size=5000, fill_value=0)
    row_valid = (jnp.arange(5000) < count).astype(jnp.float32)
    n_hard = jnp.minimum(count, 5000).astype(jnp.float32)

    pos_term = jnp.sum(WEIGHTS[1] * jnp.power(data, 2) * pos_f) / n_pos

    neg_hard = embeddings[idx]
    neg_dist = _cdist(neg_hard, embeddings)
    hinge = WEIGHTS[0] * jnp.power(jnp.maximum(MARGIN - neg_dist, 0.0), 2)
    hinge = hinge * row_valid[:, None] * pos_f[None, :]
    neg_term = jnp.sum(hinge) / (n_hard * n_pos)

    loss_contrastive = pos_term + jnp.where(count > 0, neg_term, 0.0)
    return loss_contrastive

if __name__ == "__main__":
    import jax
    _d = setup_inputs()
    print(jax.jit(kernel)(*tuple(_d.values())))

</pallas_src>

<mosaic_0001>
#map = affine_map<(d0, d1) -> (0)>
#map1 = affine_map<(d0, d1) -> (0, 0)>
module attributes {stable_mosaic.version = 14 : i64} {
  func.func @_sc_body(%arg0: i32, %arg1: i32, %arg2: memref<65536xf32, #tpu.memory_space<hbm>>, %arg3: memref<65536xi32, #tpu.memory_space<hbm>>, %arg4: memref<5120xi32, #tpu.memory_space<hbm>>, %arg5: memref<65536x128xf32, #tpu.memory_space<hbm>>, %arg6: memref<5120x128xf32, #tpu.memory_space<hbm>>, %arg7: memref<256x16xf32, #tpu.memory_space<hbm>>, %arg8: memref<2048xf32, #tpu.memory_space<vmem>>, %arg9: memref<2048xi32, #tpu.memory_space<vmem>>, %arg10: memref<160xi32, #tpu.memory_space<vmem>>, %arg11: memref<160x128xf32, #tpu.memory_space<vmem>>, %arg12: memref<8x16xf32, #tpu.memory_space<vmem>>, %arg13: memref<!tpu.dma_semaphore, #tpu.memory_space<semaphore_mem>>) attributes {dimension_semantics = [#tpu.dimension_semantics<core_parallel>, #tpu.dimension_semantics<subcore_parallel>], iteration_bounds = array<i64: 2, 16>, scalar_prefetch = 0 : i64, scratch_operands = 6 : i64, tpu.core_type = #tpu.core_type<sc_vector_subcore>, window_params = [{transform_indices = #map}, {transform_indices = #map}, {transform_indices = #map}, {transform_indices = #map1}, {transform_indices = #map1}, {transform_indices = #map1}]} {
    %mul3A = arith.constant 2 : i32
    %mul3A_0 = arith.muli %arg1, %mul3A : i32
    %add3A = arith.addi %mul3A_0, %arg0 : i32
    %mul3A_1 = arith.constant 2048 : i32
    %mul3A_2 = arith.muli %add3A, %mul3A_1 : i32
    "tpu.region"() ({
      %run_scoped3A = tpu.sem_alloc : memref<!tpu.dma_semaphore, #tpu.memory_space<semaphore_mem>>
      %dma_start3A_40 = tpu.memref_slice %arg2[%mul3A_2] : memref<65536xf32, #tpu.memory_space<hbm>> -> memref<2048xf32, #tpu.memory_space<hbm>>
      %dma_start3A_41 = tpu.memref_slice %arg2[%mul3A_2] : memref<65536xf32, #tpu.memory_space<hbm>> -> memref<2048xf32, #tpu.memory_space<hbm>>
      tpu.enqueue_dma source(%dma_start3A_41 : memref<2048xf32, #tpu.memory_space<hbm>>) target(%arg8 : memref<2048xf32, #tpu.memory_space<vmem>>) target_semaphore(%run_scoped3A : memref<!tpu.dma_semaphore, #tpu.memory_space<semaphore_mem>>)
      %dma_wait3A_42 = tpu.memref_slice %arg2[%mul3A_2] : memref<65536xf32, #tpu.memory_space<hbm>> -> memref<2048xf32, #tpu.memory_space<hbm>>
      %dma_wait3A_43 = tpu.memref_slice %arg2[%mul3A_2] : memref<65536xf32, #tpu.memory_space<hbm>> -> memref<2048xf32, #tpu.memory_space<hbm>>
      tpu.wait_dma2 semaphore(%run_scoped3A : memref<!tpu.dma_semaphore, #tpu.memory_space<semaphore_mem>>) src(%dma_wait3A_43 : memref<2048xf32, #tpu.memory_space<hbm>>) dst(%arg8 : memref<2048xf32, #tpu.memory_space<vmem>>)
      tpu.yield
    }) : () -> ()
    %mul3A_3 = arith.constant 2048 : i32
    %mul3A_4 = arith.muli %add3A, %mul3A_3 : i32
    "tpu.region"() ({
      %run_scoped3A = tpu.sem_alloc : memref<!tpu.dma_semaphore, #tpu.memory_space<semaphore_mem>>
      %dma_start3A_40 = tpu.memref_slice %arg3[%mul3A_4] : memref<65536xi32, #tpu.memory_space<hbm>> -> memref<2048xi32, #tpu.memory_space<hbm>>
      %dma_start3A_41 = tpu.memref_slice %arg3[%mul3A_4] : memref<65536xi32, #tpu.memory_space<hbm>> -> memref<2048xi32, #tpu.memory_space<hbm>>
      tpu.enqueue_dma source(%dma_start3A_41 : memref<2048xi32, #tpu.memory_space<hbm>>) target(%arg9 : memref<2048xi32, #tpu.memory_space<vmem>>) target_semaphore(%run_scoped3A : memref<!tpu.dma_semaphore, #tpu.memory_space<semaphore_mem>>)
      %dma_wait3A_42 = tpu.memref_slice %arg3[%mul3A_4] : memref<65536xi32, #tpu.memory_space<hbm>> -> memref<2048xi32, #tpu.memory_space<hbm>>
      %dma_wait3A_43 = tpu.memref_slice %arg3[%mul3A_4] : memref<65536xi32, #tpu.memory_space<hbm>> -> memref<2048xi32, #tpu.memory_space<hbm>>
      tpu.wait_dma2 semaphore(%run_scoped3A : memref<!tpu.dma_semaphore, #tpu.memory_space<semaphore_mem>>) src(%dma_wait3A_43 : memref<2048xi32, #tpu.memory_space<hbm>>) dst(%arg9 : memref<2048xi32, #tpu.memory_space<vmem>>)
      tpu.yield
    }) : () -> ()
    %broadcast_in_dim3A = arith.constant 0.000000e+00 : f32
    %broadcast_in_dim3A_5 = vector.broadcast %broadcast_in_dim3A : f32 to vector<16xf32>
    %broadcast_in_dim3A_6 = arith.constant 1.000000e+00 : f32
    %broadcast_in_dim3A_7 = vector.broadcast %broadcast_in_dim3A_6 : f32 to vector<16xf32>
    %scan3A = arith.constant 0 : i32
    %scan3A_8 = arith.constant 128 : i32
    %scan3A_9 = arith.addi %scan3A, %scan3A_8 : i32
    %scan3A_10 = arith.constant 1 : i32
    %scan3A_11:3 = scf.for %scan3A_40 = %scan3A to %scan3A_9 step %scan3A_10 iter_args(%scan3A_41 = %broadcast_in_dim3A_5, %scan3A_42 = %broadcast_in_dim3A_5, %scan3A_43 = %broadcast_in_dim3A_5) -> (vector<16xf32>, vector<16xf32>, vector<16xf32>)  : i32 {
      %mul3A_44 = arith.constant 16 : i32
      %mul3A_45 = arith.muli %scan3A_40, %mul3A_44 : i32
      %get3A = arith.index_cast %mul3A_45 : i32 to index
      %get3A_46 = tpu.vector_load %arg8[%get3A] {strides = array<i32>} : memref<2048xf32, #tpu.memory_space<vmem>>, vector<16xf32>,
      %get3A_47 = vector.shape_cast %get3A_46 : vector<16xf32> to vector<16xf32>
      %mul3A_48 = arith.constant 16 : i32
      %mul3A_49 = arith.muli %scan3A_40, %mul3A_48 : i32
      %get3A_50 = arith.index_cast %mul3A_49 : i32 to index
      %get3A_51 = tpu.vector_load %arg9[%get3A_50] {strides = array<i32>} : memref<2048xi32, #tpu.memory_space<vmem>>, vector<16xi32>,
      %get3A_52 = vector.shape_cast %get3A_51 : vector<16xi32> to vector<16xi32>
      %ne3A = arith.constant 0 : i32
      %ne3A_53 = vector.broadcast %ne3A : i32 to vector<16xi32>
      %ne3A_54 = arith.cmpi ne, %get3A_52, %ne3A_53 : vector<16xi32>
      %select_n3A = arith.select %ne3A_54, %broadcast_in_dim3A_7, %broadcast_in_dim3A_5 : vector<16xi1>, vector<16xf32>
      %add3A_55 = arith.addf %scan3A_42, %select_n3A : vector<16xf32>
      %mul3A_56 = arith.mulf %get3A_47, %get3A_47 : vector<16xf32>
      %mul3A_57 = arith.mulf %mul3A_56, %select_n3A : vector<16xf32>
      %add3A_58 = arith.addf %scan3A_43, %mul3A_57 : vector<16xf32>
      %eq3A = arith.constant 0 : i32
      %eq3A_59 = vector.broadcast %eq3A : i32 to vector<16xi32>
      %eq3A_60 = arith.cmpi eq, %get3A_52, %eq3A_59 : vector<16xi32>
      %lt3A = arith.constant 1.000000e+00 : f32
      %lt3A_61 = vector.broadcast %lt3A : f32 to vector<16xf32>
      %lt3A_62 = arith.cmpf olt, %get3A_47, %lt3A_61 : vector<16xf32>
      %and3A = arith.andi %eq3A_60, %lt3A_62 : vector<16xi1>
      %select_n3A_63 = arith.select %and3A, %broadcast_in_dim3A_7, %broadcast_in_dim3A_5 : vector<16xi1>, vector<16xf32>
      %add3A_64 = arith.addf %scan3A_41, %select_n3A_63 : vector<16xf32>
      scf.yield %add3A_64, %add3A_55, %add3A_58 : vector<16xf32>, vector<16xf32>, vector<16xf32>
    }
    %scan3A_12 = arith.constant 128 : i32
    %swap3A = arith.constant 0 : i32
    %swap3A_13 = arith.index_cast %swap3A : i32 to index
    %swap3A_14 = arith.constant 0 : index
    %swap3A_15 = tpu.vector_load %arg12[%swap3A_13, %swap3A_14] {strides = array<i32>} : memref<8x16xf32, #tpu.memory_space<vmem>>, vector<1x16xf32>,
    %swap3A_16 = vector.shape_cast %swap3A_15 : vector<1x16xf32> to vector<16xf32>
    %swap3A_17 = vector.shape_cast %scan3A_11#0 : vector<16xf32> to vector<1x16xf32>
    tpu.vector_store %arg12[%swap3A_13, %swap3A_14], %swap3A_17 {strides = array<i32>} : memref<8x16xf32, #tpu.memory_space<vmem>>, vector<1x16xf32>,
    %swap3A_18 = arith.constant 1 : i32
    %swap3A_19 = arith.index_cast %swap3A_18 : i32 to index
    %swap3A_20 = arith.constant 0 : index
    %swap3A_21 = tpu.vector_load %arg12[%swap3A_19, %swap3A_20] {strides = array<i32>} : memref<8x16xf32, #tpu.memory_space<vmem>>, vector<1x16xf32>,
    %swap3A_22 = vector.shape_cast %swap3A_21 : vector<1x16xf32> to vector<16xf32>
    %swap3A_23 = vector.shape_cast %scan3A_11#1 : vector<16xf32> to vector<1x16xf32>
    tpu.vector_store %arg12[%swap3A_19, %swap3A_20], %swap3A_23 {strides = array<i32>} : memref<8x16xf32, #tpu.memory_space<vmem>>, vector<1x16xf32>,
    %swap3A_24 = arith.constant 2 : i32
    %swap3A_25 = arith.index_cast %swap3A_24 : i32 to index
    %swap3A_26 = arith.constant 0 : index
    %swap3A_27 = tpu.vector_load %arg12[%swap3A_25, %swap3A_26] {strides = array<i32>} : memref<8x16xf32, #tpu.memory_space<vmem>>, vector<1x16xf32>,
    %swap3A_28 = vector.shape_cast %swap3A_27 : vector<1x16xf32> to vector<16xf32>
    %swap3A_29 = vector.shape_cast %scan3A_11#2 : vector<16xf32> to vector<1x16xf32>
    tpu.vector_store %arg12[%swap3A_25, %swap3A_26], %swap3A_29 {strides = array<i32>} : memref<8x16xf32, #tpu.memory_space<vmem>>, vector<1x16xf32>,
    %mul3A_30 = arith.constant 8 : i32
    %mul3A_31 = arith.muli %add3A, %mul3A_30 : i32
    "tpu.region"() ({
      %run_scoped3A = tpu.sem_alloc : memref<!tpu.dma_semaphore, #tpu.memory_space<semaphore_mem>>
      %dma_start3A_40 = arith.constant 0 : i32
      %dma_start3A_41 = tpu.memref_slice %arg7[%mul3A_31, %dma_start3A_40] : memref<256x16xf32, #tpu.memory_space<hbm>> -> memref<8x16xf32, #tpu.memory_space<hbm>>
      %dma_start3A_42 = arith.constant 0 : i32
      %dma_start3A_43 = tpu.memref_slice %arg7[%mul3A_31, %dma_start3A_42] : memref<256x16xf32, #tpu.memory_space<hbm>> -> memref<8x16xf32, #tpu.memory_space<hbm>>
      tpu.enqueue_dma source(%arg12 : memref<8x16xf32, #tpu.memory_space<vmem>>) target(%dma_start3A_43 : memref<8x16xf32, #tpu.memory_space<hbm>>) target_semaphore(%run_scoped3A : memref<!tpu.dma_semaphore, #tpu.memory_space<semaphore_mem>>)
      %dma_wait3A_44 = arith.constant 0 : i32
      %dma_wait3A_45 = tpu.memref_slice %arg7[%mul3A_31, %dma_wait3A_44] : memref<256x16xf32, #tpu.memory_space<hbm>> -> memref<8x16xf32, #tpu.memory_space<hbm>>
      %dma_wait3A_46 = arith.constant 0 : i32
      %dma_wait3A_47 = tpu.memref_slice %arg7[%mul3A_31, %dma_wait3A_46] : memref<256x16xf32, #tpu.memory_space<hbm>> -> memref<8x16xf32, #tpu.memory_space<hbm>>
      tpu.wait_dma2 semaphore(%run_scoped3A : memref<!tpu.dma_semaphore, #tpu.memory_space<semaphore_mem>>) src(%arg12 : memref<8x16xf32, #tpu.memory_space<vmem>>) dst(%dma_wait3A_47 : memref<8x16xf32, #tpu.memory_space<hbm>>)
      tpu.yield
    }) : () -> ()
    %mul3A_32 = arith.constant 160 : i32
    %mul3A_33 = arith.muli %add3A, %mul3A_32 : i32
    "tpu.region"() ({
      %run_scoped3A = tpu.sem_alloc : memref<!tpu.dma_semaphore, #tpu.memory_space<semaphore_mem>>
      %dma_start3A_40 = tpu.memref_slice %arg4[%mul3A_33] : memref<5120xi32, #tpu.memory_space<hbm>> -> memref<160xi32, #tpu.memory_space<hbm>>
      %dma_start3A_41 = tpu.memref_slice %arg4[%mul3A_33] : memref<5120xi32, #tpu.memory_space<hbm>> -> memref<160xi32, #tpu.memory_space<hbm>>
      tpu.enqueue_dma source(%dma_start3A_41 : memref<160xi32, #tpu.memory_space<hbm>>) target(%arg10 : memref<160xi32, #tpu.memory_space<vmem>>) target_semaphore(%run_scoped3A : memref<!tpu.dma_semaphore, #tpu.memory_space<semaphore_mem>>)
      %dma_wait3A_42 = tpu.memref_slice %arg4[%mul3A_33] : memref<5120xi32, #tpu.memory_space<hbm>> -> memref<160xi32, #tpu.memory_space<hbm>>
      %dma_wait3A_43 = tpu.memref_slice %arg4[%mul3A_33] : memref<5120xi32, #tpu.memory_space<hbm>> -> memref<160xi32, #tpu.memory_space<hbm>>
      tpu.wait_dma2 semaphore(%run_scoped3A : memref<!tpu.dma_semaphore, #tpu.memory_space<semaphore_mem>>) src(%dma_wait3A_43 : memref<160xi32, #tpu.memory_space<hbm>>) dst(%arg10 : memref<160xi32, #tpu.memory_space<vmem>>)
      tpu.yield
    }) : () -> ()
    %dma_start3A = arith.constant 0 : i32
    %dma_start3A_34 = arith.constant 0 : i32
    %dma_start3A_35 = tpu.memref_slice %arg5[%dma_start3A, %dma_start3A_34] : memref<65536x128xf32, #tpu.memory_space<hbm>> -> memref<65536x128xf32, #tpu.memory_space<hbm>>
    tpu.enqueue_indirect_dma source(%dma_start3A_35 : memref<65536x128xf32, #tpu.memory_space<hbm>>) target(%arg11 : memref<160x128xf32, #tpu.memory_space<vmem>>) offsets(%arg10 : memref<160xi32, #tpu.memory_space<vmem>>) semaphore(%arg13 : memref<!tpu.dma_semaphore, #tpu.memory_space<semaphore_mem>>)
    %dma_wait3A = arith.constant 0 : i32
    %dma_wait3A_36 = arith.constant 0 : i32
    %dma_wait3A_37 = tpu.memref_slice %arg5[%dma_wait3A, %dma_wait3A_36] : memref<65536x128xf32, #tpu.memory_space<hbm>> -> memref<65536x128xf32, #tpu.memory_space<hbm>>
    tpu.wait_indirect_dma semaphore(%arg13 : memref<!tpu.dma_semaphore, #tpu.memory_space<semaphore_mem>>) src(%dma_wait3A_37 : memref<65536x128xf32, #tpu.memory_space<hbm>>) dst(%arg11 : memref<160x128xf32, #tpu.memory_space<vmem>>)
    %mul3A_38 = arith.constant 160 : i32
    %mul3A_39 = arith.muli %add3A, %mul3A_38 : i32
    "tpu.region"() ({
      %run_scoped3A = tpu.sem_alloc : memref<!tpu.dma_semaphore, #tpu.memory_space<semaphore_mem>>
      %dma_start3A_40 = arith.constant 0 : i32
      %dma_start3A_41 = tpu.memref_slice %arg6[%mul3A_39, %dma_start3A_40] : memref<5120x128xf32, #tpu.memory_space<hbm>> -> memref<160x128xf32, #tpu.memory_space<hbm>>
      %dma_start3A_42 = arith.constant 0 : i32
      %dma_start3A_43 = tpu.memref_slice %arg6[%mul3A_39, %dma_start3A_42] : memref<5120x128xf32, #tpu.memory_space<hbm>> -> memref<160x128xf32, #tpu.memory_space<hbm>>
      tpu.enqueue_dma source(%arg11 : memref<160x128xf32, #tpu.memory_space<vmem>>) target(%dma_start3A_43 : memref<160x128xf32, #tpu.memory_space<hbm>>) target_semaphore(%run_scoped3A : memref<!tpu.dma_semaphore, #tpu.memory_space<semaphore_mem>>)
      %dma_wait3A_44 = arith.constant 0 : i32
      %dma_wait3A_45 = tpu.memref_slice %arg6[%mul3A_39, %dma_wait3A_44] : memref<5120x128xf32, #tpu.memory_space<hbm>> -> memref<160x128xf32, #tpu.memory_space<hbm>>
      %dma_wait3A_46 = arith.constant 0 : i32
      %dma_wait3A_47 = tpu.memref_slice %arg6[%mul3A_39, %dma_wait3A_46] : memref<5120x128xf32, #tpu.memory_space<hbm>> -> memref<160x128xf32, #tpu.memory_space<hbm>>
      tpu.wait_dma2 semaphore(%run_scoped3A : memref<!tpu.dma_semaphore, #tpu.memory_space<semaphore_mem>>) src(%arg11 : memref<160x128xf32, #tpu.memory_space<vmem>>) dst(%dma_wait3A_47 : memref<160x128xf32, #tpu.memory_space<hbm>>)
      tpu.yield
    }) : () -> ()
    return
  }
}

module attributes {stable_mosaic.version = 14 : i64} {
  func.func @_tc_body(%arg0: i32, %arg1: i32, %arg2: memref<16xf32, #tpu.memory_space<smem>>, %arg3: memref<512x34xf32, #tpu.memory_space<vmem>>, %arg4: memref<2048x34xf32, #tpu.memory_space<vmem>>, %arg5: memref<1x1xf32, #tpu.memory_space<vmem>>) attributes {dimension_semantics = [#tpu.dimension_semantics<arbitrary>, #tpu.dimension_semantics<arbitrary>], iteration_bounds = array<i64: 10, 32>, scalar_prefetch = 0 : i64, scratch_operands = 0 : i64, tpu.core_type = #tpu.core_type<tc>, window_params = [{transform_indices = @transform_0, window_bounds = array<i64: 16>}, {transform_indices = @transform_1, window_bounds = array<i64: 512, 34>}, {transform_indices = @transform_2, window_bounds = array<i64: 2048, 34>}, {pipeline_mode = #tpu.pipeline_mode<synchronous>, transform_indices = @transform_3, window_bounds = array<i64: 1, 1>}]} {
    %get3A = arith.constant 0 : index
    %get3A_0 = memref.load %arg2[%get3A] : memref<16xf32, #tpu.memory_space<smem>>
    %get3A_1 = arith.constant 1 : index
    %get3A_2 = memref.load %arg2[%get3A_1] : memref<16xf32, #tpu.memory_space<smem>>
    %get3A_3 = arith.constant 2 : index
    %get3A_4 = memref.load %arg2[%get3A_3] : memref<16xf32, #tpu.memory_space<smem>>
    %eq3A = arith.constant 0 : i32
    %eq3A_5 = arith.cmpi eq, %arg0, %eq3A : i32
    %eq3A_6 = arith.constant 0 : i32
    %eq3A_7 = arith.cmpi eq, %arg1, %eq3A_6 : i32
    %and3A = arith.andi %eq3A_5, %eq3A_7 : i1
    %convert_element_type3A = arith.extui %and3A : i1 to i32
    %cond3A = arith.constant 0 : i32
    %cond3A_8 = arith.cmpi ne, %convert_element_type3A, %cond3A : i32
    scf.if %cond3A_8 {
      %broadcast_in_dim3A = arith.constant 0.000000e+00 : f32
      %broadcast_in_dim3A_22 = vector.broadcast %broadcast_in_dim3A : f32 to vector<1x1xf32>
      %swap3A = arith.constant 0 : index
      %swap3A_23 = arith.constant 0 : index
      %swap3A_24 = vector.load %arg5[%swap3A, %swap3A_23] : memref<1x1xf32, #tpu.memory_space<vmem>>, vector<1x1xf32>
      tpu.vector_store %arg5[%swap3A, %swap3A_23], %broadcast_in_dim3A_22 {strides = array<i32>} : memref<1x1xf32, #tpu.memory_space<vmem>>, vector<1x1xf32>,
    } else {
    }
    %mul3A = arith.constant 512 : i32
    %mul3A_9 = arith.muli %arg0, %mul3A : i32
    %convert_element_type3A_10 = arith.sitofp %mul3A_9 : i32 to f32
    %lt3A = arith.cmpf olt, %convert_element_type3A_10, %get3A_0 : f32
    %convert_element_type3A_11 = arith.extui %lt3A : i1 to i32
    %cond3A_12 = arith.constant 0 : i32
    %cond3A_13 = arith.cmpi ne, %convert_element_type3A_11, %cond3A_12 : i32
    scf.if %cond3A_13 {
      %get3A_22 = arith.constant 0 : index
      %get3A_23 = arith.constant 0 : index
      %get3A_24 = vector.load %arg3[%get3A_22, %get3A_23] : memref<512x34xf32, #tpu.memory_space<vmem>>, vector<512x34xf32>
      %get3A_25 = arith.constant 0 : index
      %get3A_26 = arith.constant 0 : index
      %get3A_27 = vector.load %arg4[%get3A_25, %get3A_26] : memref<2048x34xf32, #tpu.memory_space<vmem>>, vector<2048x34xf32>
      %dot_general3A = arith.constant dense<0.000000e+00> : vector<512x2048xf32>
      %dot_general3A_28 = tpu.matmul %get3A_24, %get3A_27, %dot_general3A {dimension_numbers = #tpu.dot_dimension_numbers<[1], [1], [0], [0], [0, 0, 1, 0], [], []>, transpose_lhs_hint = false} : vector<512x34xf32>, vector<2048x34xf32>, vector<512x2048xf32> -> vector<512x2048xf32>
      %max3A = arith.constant 9.99999996E-13 : f32
      %max3A_29 = vector.broadcast %max3A : f32 to vector<512x2048xf32>
      %max3A_30 = arith.maximumf %dot_general3A_28, %max3A_29 : vector<512x2048xf32>
      %rsqrt3A = math.rsqrt %max3A_30 : vector<512x2048xf32>
      %mul3A_31 = arith.mulf %max3A_30, %rsqrt3A : vector<512x2048xf32>
      %sub3A = arith.constant 1.000000e+00 : f32
      %sub3A_32 = vector.broadcast %sub3A : f32 to vector<512x2048xf32>
      %sub3A_33 = arith.subf %sub3A_32, %mul3A_31 : vector<512x2048xf32>
      %max3A_34 = arith.constant 0.000000e+00 : f32
      %max3A_35 = vector.broadcast %max3A_34 : f32 to vector<512x2048xf32>
      %max3A_36 = arith.maximumf %sub3A_33, %max3A_35 : vector<512x2048xf32>
      %get3A_37 = arith.constant 0 : index
      %get3A_38 = arith.constant 0 : index
      %get3A_39 = vector.load %arg5[%get3A_37, %get3A_38] : memref<1x1xf32, #tpu.memory_space<vmem>>, vector<1x1xf32>
      %mul3A_40 = arith.mulf %max3A_36, %max3A_36 : vector<512x2048xf32>
      %reduce_sum3A = vector.shape_cast %mul3A_40 : vector<512x2048xf32> to vector<1x512x2048xf32>
      %reduce_sum3A_41 = arith.constant dense<0.000000e+00> : vector<1xf32>
      %reduce_sum3A_42 = vector.multi_reduction <add>, %reduce_sum3A, %reduce_sum3A_41 [1, 2] : vector<1x512x2048xf32> to vector<1xf32>
      %reduce_sum3A_43 = vector.shape_cast %reduce_sum3A_42 : vector<1xf32> to vector<1x1x1xf32>
      %reduce_sum3A_44 = vector.extract %reduce_sum3A_43[0, 0, 0] : f32 from vector<1x1x1xf32>
      %broadcast_in_dim3A = vector.broadcast %reduce_sum3A_44 : f32 to vector<1x1xf32>
      %add3A = arith.addf %get3A_39, %broadcast_in_dim3A : vector<1x1xf32>
      %swap3A = arith.constant 0 : index
      %swap3A_45 = arith.constant 0 : index
      %swap3A_46 = vector.load %arg5[%swap3A, %swap3A_45] : memref<1x1xf32, #tpu.memory_space<vmem>>, vector<1x1xf32>
      tpu.vector_store %arg5[%swap3A, %swap3A_45], %add3A {strides = array<i32>} : memref<1x1xf32, #tpu.memory_space<vmem>>, vector<1x1xf32>,
    } else {
    }
    %eq3A_14 = arith.constant 9 : i32
    %eq3A_15 = arith.cmpi eq, %arg0, %eq3A_14 : i32
    %eq3A_16 = arith.constant 31 : i32
    %eq3A_17 = arith.cmpi eq, %arg1, %eq3A_16 : i32
    %and3A_18 = arith.andi %eq3A_15, %eq3A_17 : i1
    %convert_element_type3A_19 = arith.extui %and3A_18 : i1 to i32
    %cond3A_20 = arith.constant 0 : i32
    %cond3A_21 = arith.cmpi ne, %convert_element_type3A_19, %cond3A_20 : i32
    scf.if %cond3A_21 {
      %get3A_22 = arith.constant 0 : index
      %get3A_23 = arith.constant 0 : index
      %get3A_24 = vector.load %arg5[%get3A_22, %get3A_23] : memref<1x1xf32, #tpu.memory_space<vmem>>, vector<1x1xf32>
      %min3A = arith.constant 5.000000e+03 : f32
      %min3A_25 = arith.minimumf %get3A_0, %min3A : f32
      %gt3A = arith.constant 0.000000e+00 : f32
      %gt3A_26 = arith.cmpf ogt, %get3A_0, %gt3A : f32
      %mul3A_27 = arith.mulf %min3A_25, %get3A_2 : f32
      %div3A = vector.broadcast %mul3A_27 : f32 to vector<1x1xf32>
      %div3A_28 = arith.divf %get3A_24, %div3A : vector<1x1xf32>
      %broadcast_in_dim3A = arith.constant 0.000000e+00 : f32
      %broadcast_in_dim3A_29 = vector.broadcast %broadcast_in_dim3A : f32 to vector<1x1xf32>
      %select_n3A = arith.select %gt3A_26, %div3A_28, %broadcast_in_dim3A_29 : vector<1x1xf32>
      %div3A_30 = arith.divf %get3A_4, %get3A_2 : f32
      %add3A = vector.broadcast %div3A_30 : f32 to vector<1x1xf32>
      %add3A_31 = arith.addf %add3A, %select_n3A : vector<1x1xf32>
      %swap3A = arith.constant 0 : index
      %swap3A_32 = arith.constant 0 : index
      %swap3A_33 = vector.load %arg5[%swap3A, %swap3A_32] : memref<1x1xf32, #tpu.memory_space<vmem>>, vector<1x1xf32>
      tpu.vector_store %arg5[%swap3A, %swap3A_32], %add3A_31 {strides = array<i32>} : memref<1x1xf32, #tpu.memory_space<vmem>>, vector<1x1xf32>,
    } else {
    }
    return
  }
  func.func @transform_0(%arg0: i32, %arg1: i32) -> i32 {
    %c0_i32 = arith.constant 0 : i32
    %c0_i32_0 = arith.constant 0 : i32
    return %c0_i32 : i32
  }
  func.func @transform_1(%arg0: i32, %arg1: i32) -> (i32, i32) {
    %c0_i32 = arith.constant 0 : i32
    %c0_i32_0 = arith.constant 0 : i32
    return %arg0, %c0_i32 : i32, i32
  }
  func.func @transform_2(%arg0: i32, %arg1: i32) -> (i32, i32) {
    %c0_i32 = arith.constant 0 : i32
    %c0_i32_0 = arith.constant 0 : i32
    return %arg1, %c0_i32 : i32, i32
  }
  func.func @transform_3(%arg0: i32, %arg1: i32) -> (i32, i32) {
    %c0_i32 = arith.constant 0 : i32
    %c0_i32_0 = arith.constant 0 : i32
    %c0_i32_1 = arith.constant 0 : i32
    return %c0_i32, %c0_i32_0 : i32, i32
  }
}

</mosaic_0001>

<sc_bundles>
// kernel: kernel.4.cloned.1.call-start
scs
__scs_entry_jumppad:
0x0: {  	(pc) =	sbr.rel $0x88, $3  }
0x1: {  	(tag) =	ssettag $0x0;
	lr =	simm.s32 $0x1  }
0x2: {  	[smem:$0x3F9E] =	sst lr;
	_ =	strace $0xD0000000  }
0x3: {  	_ = 	snop  }
0x4: {  	_ = 	snop  }
0x5: {  	_ = 	snop  }
0x6: {  	_ = 	snop  }
0x7: {  	_ = 	snop  }
__scs_overlays_trampoline_lowered:
0x8: {  	[smem:$0x3FAD] =	sst s0  }
0x9: {  	[smem:$0x3FAE] =	sst s1  }
0xa: {  	[smem:$0x3FAF] =	sst s2  }
0xb: {  	[smem:$0x3FB0] =	sst s3  }
0xc: {  	[smem:$0x3FB1] =	sst s4  }
0xd: {  	[smem:$0x3FB2] =	sst s5  }
0xe: {  	[smem:$0x3FB3] =	sst s6  }
0xf: {  	[smem:$0x3FB4] =	sst s7  }
0x10: {  	[smem:$0x3FB5] =	sst s8  }
0x11: {  	[smem:$0x3FB6] =	sst s9;
	s0 =	simm.s32 @!p0 $0x0  }
0x12: {  	s1 =	sld [smem:$0x3F9C];
	s0 =	simm.s32 @p0 $0x1  }
0x13: {  	[smem:$0x3FB7] =	sst s0;
	s0 =	simm.s32 @!p1 $0x0  }
0x14: {  	s2 =	sld [smem:$0x3F9B];
	s0 =	simm.s32 @p1 $0x1  }
0x15: {  	[smem:$0x3FB8] =	sst s0;
	s0 =	simm.s32 @!p2 $0x0  }
0x16: {  	s3 =	sld [smem:$0x3FDB];
	s0 =	simm.s32 @p2 $0x1  }
0x17: {  	s4 =	simm.s32 $0x1BF5;
	[smem:$0x3FBA] =	sst s0  }
0x18: {  	s0 =	sld [smem:$0x3F9D];
	_ =	swait.ge [sflag:s4], $0x0  }
0x19: {  	s7 =	sld [smem:$0x3F9E]  }
0x1a: {  	s8 =	sadd.s32 $0xFFFFE003, lr  }
0x1b: {  	s9 =	sadd.s32 $0xFFFFFEF7, lr;
	s5 =	simm.s32 $0xFFFFFFFF;
	p2 =	slt.u32 s8, $0xFFFFF086  }
0x1c: {  	p1 =	slt.u32 s9, $0xF7A;
	s5 =	simm.s32 @!p2 $0x0  }
0x1d: {  	s5 =	simm.s32 @p1 $0x1;
	p0 =	seq.s32 s7, s2  }
0x1e: {  	s7 =	smul.u32 @!p0 $0xF7A, s2;
	p2 =	seq.s32 @!p0 s5, $0x0  }
0x1f: {  	s9 =	smul.u32 $0xF7A, s1;
	s8 =	simm.s32 @!p0 $0x1BF5;
	p2 =	por !p2, p0  }
0x20: {  	[sflag:s8] =	ssyncset.s32 @!p0 $0xFFFFF086;
	s6 =	sadd.s32 @!p0 s3, s7;
	s7 =	simm.s32 @!p0 $0x108  }
0x21: {  	s3 =	sadd.s32 s3, s9;
	s6 =	sadd.s32 @!p0 $0x88, s6;
	s7 =	simm.s32 @p2 $0x1082  }
0x22: {  	[simem:s7], [sflag:s8] =	dma.local @!p0 [hbm:s6], $0xF7A  }
0x23: {  	s9 =	sor.u32 $0xD0000000, s2;
	s6 =	simm.s32 $0x108;
	_ =	swait.ge @!p0 [sflag:s8], $0x0  }
0x24: {  	s3 =	sadd.s32 $0x88, s3;
	s6 =	simm.s32 @!p1 $0x1082;
	[sflag:s4] =	ssyncset.s32 $0xFFFFF086  }
0x25: {  	[simem:s6], [sflag:s4] =	dma.local [hbm:s3], $0xF7A  }
0x26: {  	[smem:$0x3F9E] =	sst s1;
	(tag) =	ssettag s2;
	_ =	strace s9  }
0x27: {  	s1 =	sld [smem:$0x3FAE]  }
0x28: {  	s2 =	sld [smem:$0x3FAF]  }
0x29: {  	s4 =	sld [smem:$0x3FB1]  }
0x2a: {  	p0 =	seq.s32 s5, $0x0;
	s5 =	sld [smem:$0x3FB2]  }
0x2b: {  	s6 =	sld [smem:$0x3FB3]  }
0x2c: {  	s7 =	sld [smem:$0x3FB4]  }
0x2d: {  	s3 =	simm.s32 $0x108;
	s8 =	sld [smem:$0x3FB5]  }
0x2e: {  	s3 =	simm.s32 @!p0 $0x1082;
	s9 =	sld [smem:$0x3FB6]  }
0x2f: {  	lr =	sadd.s32 s0, s3;
	s0 =	sld [smem:$0x3FAD]  }
0x30: {  	s3 =	sld [smem:$0x3FB0]  }
0x31: {  	[smem:$0x3FB9] =	sst s10  }
0x32: {  	s10 =	sld [smem:$0x3FB7];
	_ =	sdelay $0x3  }
0x33: {  	p0 =	seq.s32 s10, $0x1;
	s10 =	sld [smem:$0x3FB9];
	_ =	sdelay $0x3  }
0x34: {  	[smem:$0x3FB9] =	sst s10  }
0x35: {  	s10 =	sld [smem:$0x3FB8];
	_ =	sdelay $0x3  }
0x36: {  	p1 =	seq.s32 s10, $0x1;
	s10 =	sld [smem:$0x3FB9];
	_ =	sdelay $0x3  }
0x37: {  	[smem:$0x3FB9] =	sst s10  }
0x38: {  	s10 =	sld [smem:$0x3FBA]  }
0x39: {  	_ = 	snop;
	(pc) =	sbr.ind lr, $3  }
0x3a: {  	_ = 	snop  }
0x3b: {  	_ = 	snop  }
0x3c: {  	p2 =	seq.s32 s10, $0x1;
	s10 =	sld [smem:$0x3FB9]  }
0x3d: {  	_ =	shalt  }
0x3e: {  	_ =	shalt  }
0x3f: {  	_ =	shalt  }
0x40: {  	_ =	shalt  }
0x41: {  	_ =	shalt  }
0x42: {  	_ =	shalt  }
0x43: {  	_ =	shalt  }
0x44: {  	_ =	shalt  }
0x45: {  	_ =	shalt  }
0x46: {  	_ =	shalt  }
0x47: {  	_ =	shalt  }
0x48: {  	_ =	shalt  }
0x49: {  	_ =	shalt  }
0x4a: {  	_ =	shalt  }
0x4b: {  	_ =	shalt  }
0x4c: {  	_ =	shalt  }
0x4d: {  	_ =	shalt  }
0x4e: {  	_ =	shalt  }
0x4f: {  	_ =	shalt  }
0x50: {  	_ =	shalt  }
0x51: {  	_ =	shalt  }
0x52: {  	_ =	shalt  }
0x53: {  	_ =	shalt  }
0x54: {  	_ =	shalt  }
0x55: {  	_ =	shalt  }
0x56: {  	_ =	shalt  }
0x57: {  	_ =	shalt  }
0x58: {  	_ =	shalt  }
0x59: {  	_ =	shalt  }
0x5a: {  	_ =	shalt  }
0x5b: {  	_ =	shalt  }
0x5c: {  	_ =	shalt  }
0x5d: {  	_ =	shalt  }
0x5e: {  	_ =	shalt  }
0x5f: {  	_ =	shalt  }
0x60: {  	_ =	shalt  }
0x61: {  	_ =	shalt  }
0x62: {  	_ =	shalt  }
0x63: {  	_ =	shalt  }
0x64: {  	_ =	shalt  }
0x65: {  	_ =	shalt  }
0x66: {  	_ =	shalt  }
0x67: {  	_ =	shalt  }
0x68: {  	_ =	shalt  }
0x69: {  	_ =	shalt  }
0x6a: {  	_ =	shalt  }
0x6b: {  	_ =	shalt  }
0x6c: {  	_ =	shalt  }
0x6d: {  	_ =	shalt  }
0x6e: {  	_ =	shalt  }
0x6f: {  	_ =	shalt  }
0x70: {  	_ =	shalt  }
0x71: {  	_ =	shalt  }
0x72: {  	_ =	shalt  }
0x73: {  	_ =	shalt  }
0x74: {  	_ =	shalt  }
0x75: {  	_ =	shalt  }
0x76: {  	_ =	shalt  }
0x77: {  	_ =	shalt  }
0x78: {  	_ =	shalt  }
0x79: {  	_ =	shalt  }
0x7a: {  	_ =	shalt  }
0x7b: {  	_ =	shalt  }
0x7c: {  	_ =	shalt  }
0x7d: {  	_ =	shalt  }
0x7e: {  	_ =	shalt  }
0x7f: {  	_ =	shalt  }
0x80: {  	_ =	shalt  }
0x81: {  	_ =	shalt  }
0x82: {  	_ =	shalt  }
0x83: {  	_ =	shalt  }
0x84: {  	_ =	shalt  }
0x85: {  	_ =	shalt  }
0x86: {  	_ =	shalt  }
0x87: {  	_ =	shalt  }
.Lfunc_end0:
.L_simem_size_0:
called_computation.1_lowered:
.L_overlay_start_0:
0x88: {  	s2 =	sld [smem:$0x3FD9]  }
0x89: {  	s3 =	sld [smem:$0x3FFE];
	_ =	sdelay $0x1  }
0x8a: {  	s1 =	srdreg.scid  }
0x8b: {  	s0 =	sand.u32 $0x1, s1  }
0x8c: {  	s17 =	sshll.u32 s0, $0xA;
	s2 =	sadd.s32 s3, s2  }
0x8d: {  	s2 =	sadd.s32 s2, s17  }
0x8e: {  	[smem:$0x3FC5] =	sst s2  }
0x8f: {  	_ = 	snop  }
0x90: {  	s2 =	sld [smem:$0x3FC9]  }
0x91: {  	s18 =	sld [smem:$0x3FC7];
	(tm) =	ssettm $0x1  }
0x92: {  	s4 =	sld [smem:$0x3FFB];
	_ =	sdelay $0x3  }
0x93: {  	_ =	strace s4  }
0x94: {  	s4 =	sld [smem:$0x3FFC];
	_ =	sdelay $0x3  }
0x95: {  	_ =	strace s4  }
0x96: {  	s4 =	sld [smem:$0x3FFD];
	_ =	sdelay $0x3  }
0x97: {  	_ =	strace s4  }
0x98: {  	_ =	strace $0x8FFFFFFF  }
0x99: {  	s19 =	sld [smem:$0x3FDB];
	_ =	sdelay $0x1  }
0x9a: {  	s5 =	simm.s32 $_scs_section_size  }
0x9b: {  	s6 =	simm.s32 $_size__tile_overlayer_lowered;
	s7 =	simm.s32 $_tile_overlayer_lowered  }
0x9c: {  	s22 =	simm.s32 $0x1BFF;
	s21 =	sshll.u32 s7, $0x1;
	s4 =	sadd.s32 s5, s19  }
0x9d: {  	s8 =	simm.s32 $0x0;
	s20 =	sshll.u32 s6, $0x1;
	s6 =	sadd.s32 s21, s4  }
0x9e: {  	[timem:s8], [sflag:s22] =	dma.local [hbm:s6], s20  }
0x9f: {  	_ =	swait.ge [sflag:s22], s20  }
0xa0: {  	s5 =	ssub.s32 $0x0, s20;
	[sflag:s22] =	ssyncset.done $0x0  }
0xa1: {  	[sflag:s22] =	ssyncadd.s32 s5;
	_ =	sdelay $0x1  }
0xa2: {  	s23 =	simm.s32 $0x1B8B  }
0xa3: {  	_ =	swait.ge [sflag:s23], $0x1  }
0xa4: {  	[sflag:s23] =	ssyncset.done $0x0  }
0xa5: {  	s25 =	simm.s32 $0x1B8E;
	s24 =	sld [smem:$0x3FFE];
	[sflag:s23] =	ssyncadd.s32 $0xFFFFFFFF  }
0xa6: {  	s26 =	simm.s32 $execute0_lowered;
	[smem:$0x3FD2] =	sst s25  }
0xa7: {  	s6 =	sshll.u32 s26, $0x1;
	_ =	strace $0x80000049;
	[dreg:$0x1] =	wrdreg $0xFFFFFFFF  }
0xa8: {  	s28 =	simm.s32 $_size_execute0_lowered;
	s4 =	sadd.s32 s4, s6;
	[dreg:$0x0] =	wrdreg $0x0  }
0xa9: {  	s6 =	sshll.u32 s28, $0x1;
	[dreg:$0x2] =	wrdreg s4  }
0xaa: {  	[dreg:$0x3] =	wrdreg s6  }
0xab: {  	[dreg:$0x4] =	wrdreg $0xC0  }
0xac: {  	_ =	task [dreg:s8], $0x5FFFF  }
0xad: {  	[dreg:$0x1] =	wrdreg $0xFFFFFFFF  }
0xae: {  	[dreg:$0x0] =	wrdreg $0x60  }
0xaf: {  	[dreg:$0x2] =	wrdreg s2  }
0xb0: {  	[dreg:$0x3] =	wrdreg s18  }
0xb1: {  	[dreg:$0x4] =	wrdreg s24  }
0xb2: {  	[dreg:$0x5] =	wrdreg $0x9  }
0xb3: {  	_ =	task.clear_ibuf [dreg:s8], $0x6FFFF;
	_ =	strace $0x90000049  }
0xb4: {  	s29 =	simm.s32 $0x9;
	_ =	strace $0x8000004B  }
0xb5: {  	_ =	swait.ge [sflag:s29], $0x1  }
0xb6: {  	[sflag:s29] =	ssyncadd.s32 $0xFFFFFFFF  }
0xb7: {  	_ =	strace $0x9000004B  }
0xb8: {  	_ =	sfence  }
0xb9: {  	s30 =	sld [smem:$0x0];
	_ =	sdelay $0x2  }
0xba: {  	s31 =	sshll.u32 s1, $0xD;
	s1 =	sshrl.u32 s1, $0x2  }
0xbb: {  	s3 =	sand.u32 $0x4000, s31;
	s1 =	sadd.s32 s1, s30  }
0xbc: {  	s0 =	sor.u32 s3, s0;
	s1 =	sshll.u32 s1, $0x11  }
0xbd: {  	s0 =	sor.u32 s1, s0  }
0xbe: {  	s0 =	sadd.s32 $0x8F2B, s0  }
0xbf: {  	[sflag:s0] =	ssyncadd.remote.s32 $0x1  }
0xc0: {  	_ =	sfence.sel $0xFFFF  }
0xc1: {  	[dreg:$0x0] =	wrdreg $0xFFFFFFFF;
	(pc) =	sbr.abs _section_cstart, $3  }
0xc2: {  	[dreg:$0x1] =	wrdreg $0xFFFFFFFF  }
0xc3: {  	_ =	task.clear_ibuf [dreg:s8], $0x2FFFF;
	_ =	strace $0x9FFFFFFF  }
0xc4: {  	(tm) =	ssettm $0x7FFFFFFF  }
0xc5: {  	_ =	shalt  }
tec
execute0_lowered:
.L_overlay_start_1:
0x0: {  	(tag) =	ssettag $0x1  }
0x1: {  	s4 =	rddreg [dreg:$0x0]  }
0x2: {  	s5 =	rddreg [dreg:$0x1];
	s1 =	srdreg.scid  }
0x3: {  	s0 =	stileid.u32;
	s7 =	rddreg [dreg:$0x2];
	s2 =	simm.s32 $0x0  }
0x4: {  	s13 =	simm.s32 $0x1000;
	s14 =	simm.s32 $0xA0;
	s15 =	simm.s32 $0x1100  }
0x5: {  	s16 =	simm.s32 $0x1;
	s6 =	sand.u32 $0x1, s1;
	s1 =	rddreg [dreg:$0x3]  }
0x6: {  	s17 =	simm.s32 $0x0;
	s3 =	sshll.u32 s0, $0x1;
	[smem:$0x7FF] =	sst s2  }
0x7: {  	s8 =	sor.u32 s6, s3;
	_ =	strace $0x8000004A;
	s3 =	sadd.s32 $0x104400, s7  }
0x8: {  	s6 =	ssub.s32 $0x2, s6;
	s9 =	smul.u32 $0xA00, s8;
	s10 =	sshll.u32 s8, $0x7  }
0x9: {  	s11 =	sshrl.u32 s6, $0x1;
	s12 =	sshll.u32 s8, $0x8;
	s8 =	smul.u32 $0x14, s8  }
0xa: {  	s10 =	sadd.s32 s10, s7;
	s11 =	ssub.s32 s6, s11;
	s4 =	sadd.s32 s4, s12  }
0xb: {  	s5 =	sadd.s32 s5, s12;
	s12 =	simm.s32 $0x6100;
	s9 =	sadd.s32 s9, s7  }
0xc: {  	s6 =	sadd.s32 $0x400, s10;
	s7 =	sadd.s32 s7, s8;
	s10 =	simm.s32 $0x2  }
0xd: {  	v0 =	vimm.f32 $1.000000000e+00;
	v1 =	vimm.f32 $0.0e+00;
	s8 =	sadd.s32 $0x1400, s9;
	s9 =	smax.u32 s11, $0x1;
	s11 =	simm.s32 $0x800  }
.LBB2_1:
0xe: {  	[tilespmem:s2], [sflag:$0x2] =	stream.linear.gather [hbm4b:s4+s2], $0x800, $0x38;
	[tilespmem:$0x6500] =	vst v63  }
0xf: {  	_ =	swait.ge [sflag:s10], $0x800  }
0x10: {  	[sflag:s10] =	ssyncset.done $0x0  }
0x11: {  	[sflag:s10] =	ssyncadd.s32 $0xFFFFF800  }
0x12: {  	[tilespmem:s11], [sflag:$0x2] =	stream.linear.gather [hbm4b:s5+s2], $0x800, $0x38;
	[tilespmem:$0x6500] =	vst v63  }
0x13: {  	_ =	swait.ge [sflag:s10], $0x800  }
0x14: {  	[sflag:s10] =	ssyncset.done $0x0  }
0x15: {  	s19 =	simm.s32 $0x0;
	[sflag:s10] =	ssyncadd.s32 $0xFFFFF800  }
0x16: {  	v5 =	vld [tilespmem:s19+$0x0]  }
0x17: {  	v6 =	vld [tilespmem:s19+$0x800];
	_ =	sdelay $0x2  }
0x18: {  	s18 =	simm.s32 $0x40;
	v2 =	vimm.f32 $0.0e+00;
	v4 =	vimm.f32 $0.0e+00;
	v3 =	vimm.f32 $0.0e+00  }
.LBB2_2:
0x19: {  	s19 =	sshra.s32 s18, $0x2;
	vm0 =	vlt.f32 v5, $1.000000000e+00;
	p0 =	sne.s32 s18, $0x1FC0  }
.Ltmp0:
0x1a: {  	s18 =	sadd.s32 $0x40, s18;
	v7 =	vmul.f32 v5, v5;
	vm1 =	veq.s32 v6, $0x0;
	v5 =	vld [tilespmem:s19+$0x0];
	(pc) =	sbr.rel @p0 .LBB2_2-.Ltmp0, $4  }
0x1b: {  	v6 =	vld [tilespmem:s19+$0x800];
	v8 =	vsel vm1, $0x0, v0;
	vm0 =	vmand vm0, vm1  }
0x1c: {  	v2 =	vadd.f32 v8, v2;
	v7 =	vmul.f32 v8, v7;
	v8 =	vsel vm0, $0x3F800000, v1  }
0x1d: {  	v4 =	vadd.f32 v8, v4  }
0x1e: {  	v3 =	vadd.f32 v7, v3  }
0x1f: {  	_ = 	snop  }
0x20: {  	vm0 =	vlt.f32 v5, $1.000000000e+00;
	v63 =	vmul.f32 v5, v5;
	vm1 =	veq.s32 v6, $0x0  }
0x21: {  	vm0 =	vmand vm0, vm1;
	v6 =	vsel vm1, $0x0, v0  }
0x22: {  	v7 =	vsel vm0, $0x3F800000, v1;
	v5 =	vmul.f32 v6, v63;
	v2 =	vadd.f32 v6, v2  }
0x23: {  	v4 =	vadd.f32 v7, v4  }
0x24: {  	v3 =	vadd.f32 v5, v3;
	[tilespmem:$0x6180] =	vst v2  }
0x25: {  	[tilespmem:$0x6100] =	vst v4  }
0x26: {  	[tilespmem:$0x6200] =	vst v3  }
0x27: {  	[hbm4b:s6+s2] =	stream.linear.scatter [tilespmem:s12], [sflag:$0x2], $0x400, $0x38;
	[tilespmem:$0x6500] =	vst v63  }
0x28: {  	_ =	swait.ge [sflag:s10], $0x400  }
0x29: {  	[sflag:s10] =	ssyncset.done $0x0  }
0x2a: {  	[sflag:s10] =	ssyncadd.s32 $0xFFFFFC00  }
0x2b: {  	[tilespmem:s13], [sflag:$0x2] =	stream.linear.gather [hbm4b:s7+s2], $0xA0, $0x38;
	[tilespmem:$0x6500] =	vst v63  }
0x2c: {  	_ =	swait.ge [sflag:s10], $0xA0  }
0x2d: {  	[sflag:s10] =	ssyncset.done $0x0  }
0x2e: {  	[sflag:s10] =	ssyncadd.s32 $0xFFFFFF60  }
0x2f: {  	[tilespmem:s15], [sflag:$0x1] =	stream.indirect.gather [hbm4b:s3+s14], $0x80, s13, s14, $0xb8;
	[tilespmem:$0x6500] =	vst v63  }
0x30: {  	s17 =	sadd.s32 $0x1, s17;
	_ =	swait.ge [sflag:s16], $0x5000  }
0x31: {  	p0 =	sne.s32 s17, s9;
	[sflag:s16] =	ssyncset.done $0x0  }
.Ltmp1:
0x32: {  	[sflag:s16] =	ssyncadd.s32 $0xFFFFB000;
	(pc) =	sbr.rel @p0 .LBB2_1-.Ltmp1, $4  }
0x33: {  	[hbm4b:s8+s2] =	stream.linear.scatter [tilespmem:s15], [sflag:$0x2], $0x5000, $0x38;
	[tilespmem:$0x6500] =	vst v63  }
0x34: {  	_ =	swait.ge [sflag:s10], $0x5000  }
0x35: {  	[sflag:s10] =	ssyncset.done $0x0  }
0x36: {  	[sflag:s10] =	ssyncadd.s32 $0xFFFFB000  }
0x37: {  	_ =	sfence.sel $0x180000  }
0x38: {  	[bflag:$0x0] =	sbarrier.arrive $0xFFFF  }
0x39: {  	p0 =	sne.s32 s0, $0x0;
	_ =	strace $0x9000004A  }
0x3a: {  	s0 =	sadd.s32 @!p0 $0x100000, s1;
	[bflag:$0x2] =	sbarrier.arrive $0xFFFF  }
0x3b: {  	[sflag:s0] =	ssyncadd.tile.s32 @!p0 $0x1;
	_ =	shalt  }
.Lfunc_end2:
_tile_overlayer_lowered:
.L_overlay_start_2:
0x3c: {  	(tag) =	ssettag $0x2  }
0x3d: {  	s0 =	rddreg [dreg:$0x0];
	s2 =	stileid.u32  }
0x3e: {  	s1 =	rddreg [dreg:$0x1];
	p0 =	sne.s32 s2, $0x0  }
0x3f: {  	s3 =	rddreg [dreg:$0x2];
	[bflag:$0x3] =	sbarrier.arrive $0xFFFF;
	s2 =	simm.s32 @!p0 $0x1C02  }
0x40: {  	[timem:s3], [sflag:s2] =	dma.local @!p0 [hbm:s0], s1  }
0x41: {  	s0 =	simm.s32 @!p0 $0x2  }
0x42: {  	_ =	swait.ge @!p0 [sflag:s0], s1  }
0x43: {  	s1 =	ssub.s32 @!p0 $0x0, s1;
	[sflag:s0] =	ssyncset.done @!p0 $0x0  }
0x44: {  	[sflag:s0] =	ssyncadd.s32 @!p0 s1  }
0x45: {  	[bflag:$0x3] =	sbarrier.arrive $0xFFFF  }
0x46: {  	_ =	shalt  }

// kernel: scatter_offload_async_start
scs
__scs_entry_jumppad:
0x0: {  	(pc) =	sbr.rel $0x88, $3  }
0x1: {  	(tag) =	ssettag $0x0;
	lr =	simm.s32 $0x1  }
0x2: {  	[smem:$0x3F9E] =	sst lr;
	_ =	strace $0xD0000000  }
0x3: {  	_ = 	snop  }
0x4: {  	_ = 	snop  }
0x5: {  	_ = 	snop  }
0x6: {  	_ = 	snop  }
0x7: {  	_ = 	snop  }
__scs_overlays_trampoline_lowered:
0x8: {  	[smem:$0x3FAD] =	sst s0  }
0x9: {  	[smem:$0x3FAE] =	sst s1  }
0xa: {  	[smem:$0x3FAF] =	sst s2  }
0xb: {  	[smem:$0x3FB0] =	sst s3  }
0xc: {  	[smem:$0x3FB1] =	sst s4  }
0xd: {  	[smem:$0x3FB2] =	sst s5  }
0xe: {  	[smem:$0x3FB3] =	sst s6  }
0xf: {  	[smem:$0x3FB4] =	sst s7  }
0x10: {  	[smem:$0x3FB5] =	sst s8  }
0x11: {  	[smem:$0x3FB6] =	sst s9;
	s0 =	simm.s32 @!p0 $0x0  }
0x12: {  	s1 =	sld [smem:$0x3F9C];
	s0 =	simm.s32 @p0 $0x1  }
0x13: {  	[smem:$0x3FB7] =	sst s0;
	s0 =	simm.s32 @!p1 $0x0  }
0x14: {  	s2 =	sld [smem:$0x3F9B];
	s0 =	simm.s32 @p1 $0x1  }
0x15: {  	[smem:$0x3FB8] =	sst s0;
	s0 =	simm.s32 @!p2 $0x0  }
0x16: {  	s3 =	sld [smem:$0x3FDB];
	s0 =	simm.s32 @p2 $0x1  }
0x17: {  	s4 =	simm.s32 $0x1BF5;
	[smem:$0x3FBA] =	sst s0  }
0x18: {  	s0 =	sld [smem:$0x3F9D];
	_ =	swait.ge [sflag:s4], $0x0  }
0x19: {  	s7 =	sld [smem:$0x3F9E]  }
0x1a: {  	s8 =	sadd.s32 $0xFFFFE003, lr  }
0x1b: {  	s9 =	sadd.s32 $0xFFFFFEF7, lr;
	s5 =	simm.s32 $0xFFFFFFFF;
	p2 =	slt.u32 s8, $0xFFFFF086  }
0x1c: {  	p1 =	slt.u32 s9, $0xF7A;
	s5 =	simm.s32 @!p2 $0x0  }
0x1d: {  	s5 =	simm.s32 @p1 $0x1;
	p0 =	seq.s32 s7, s2  }
0x1e: {  	s7 =	smul.u32 @!p0 $0xF7A, s2;
	p2 =	seq.s32 @!p0 s5, $0x0  }
0x1f: {  	s9 =	smul.u32 $0xF7A, s1;
	s8 =	simm.s32 @!p0 $0x1BF5;
	p2 =	por !p2, p0  }
0x20: {  	[sflag:s8] =	ssyncset.s32 @!p0 $0xFFFFF086;
	s6 =	sadd.s32 @!p0 s3, s7;
	s7 =	simm.s32 @!p0 $0x108  }
0x21: {  	s3 =	sadd.s32 s3, s9;
	s6 =	sadd.s32 @!p0 $0x88, s6;
	s7 =	simm.s32 @p2 $0x1082  }
0x22: {  	[simem:s7], [sflag:s8] =	dma.local @!p0 [hbm:s6], $0xF7A  }
0x23: {  	s9 =	sor.u32 $0xD0000000, s2;
	s6 =	simm.s32 $0x108;
	_ =	swait.ge @!p0 [sflag:s8], $0x0  }
0x24: {  	s3 =	sadd.s32 $0x88, s3;
	s6 =	simm.s32 @!p1 $0x1082;
	[sflag:s4] =	ssyncset.s32 $0xFFFFF086  }
0x25: {  	[simem:s6], [sflag:s4] =	dma.local [hbm:s3], $0xF7A  }
0x26: {  	[smem:$0x3F9E] =	sst s1;
	(tag) =	ssettag s2;
	_ =	strace s9  }
0x27: {  	s1 =	sld [smem:$0x3FAE]  }
0x28: {  	s2 =	sld [smem:$0x3FAF]  }
0x29: {  	s4 =	sld [smem:$0x3FB1]  }
0x2a: {  	p0 =	seq.s32 s5, $0x0;
	s5 =	sld [smem:$0x3FB2]  }
0x2b: {  	s6 =	sld [smem:$0x3FB3]  }
0x2c: {  	s7 =	sld [smem:$0x3FB4]  }
0x2d: {  	s3 =	simm.s32 $0x108;
	s8 =	sld [smem:$0x3FB5]  }
0x2e: {  	s3 =	simm.s32 @!p0 $0x1082;
	s9 =	sld [smem:$0x3FB6]  }
0x2f: {  	lr =	sadd.s32 s0, s3;
	s0 =	sld [smem:$0x3FAD]  }
0x30: {  	s3 =	sld [smem:$0x3FB0]  }
0x31: {  	[smem:$0x3FB9] =	sst s10  }
0x32: {  	s10 =	sld [smem:$0x3FB7];
	_ =	sdelay $0x3  }
0x33: {  	p0 =	seq.s32 s10, $0x1;
	s10 =	sld [smem:$0x3FB9];
	_ =	sdelay $0x3  }
0x34: {  	[smem:$0x3FB9] =	sst s10  }
0x35: {  	s10 =	sld [smem:$0x3FB8];
	_ =	sdelay $0x3  }
0x36: {  	p1 =	seq.s32 s10, $0x1;
	s10 =	sld [smem:$0x3FB9];
	_ =	sdelay $0x3  }
0x37: {  	[smem:$0x3FB9] =	sst s10  }
0x38: {  	s10 =	sld [smem:$0x3FBA]  }
0x39: {  	_ = 	snop;
	(pc) =	sbr.ind lr, $3  }
0x3a: {  	_ = 	snop  }
0x3b: {  	_ = 	snop  }
0x3c: {  	p2 =	seq.s32 s10, $0x1;
	s10 =	sld [smem:$0x3FB9]  }
0x3d: {  	_ =	shalt  }
0x3e: {  	_ =	shalt  }
0x3f: {  	_ =	shalt  }
0x40: {  	_ =	shalt  }
0x41: {  	_ =	shalt  }
0x42: {  	_ =	shalt  }
0x43: {  	_ =	shalt  }
0x44: {  	_ =	shalt  }
0x45: {  	_ =	shalt  }
0x46: {  	_ =	shalt  }
0x47: {  	_ =	shalt  }
0x48: {  	_ =	shalt  }
0x49: {  	_ =	shalt  }
0x4a: {  	_ =	shalt  }
0x4b: {  	_ =	shalt  }
0x4c: {  	_ =	shalt  }
0x4d: {  	_ =	shalt  }
0x4e: {  	_ =	shalt  }
0x4f: {  	_ =	shalt  }
0x50: {  	_ =	shalt  }
0x51: {  	_ =	shalt  }
0x52: {  	_ =	shalt  }
0x53: {  	_ =	shalt  }
0x54: {  	_ =	shalt  }
0x55: {  	_ =	shalt  }
0x56: {  	_ =	shalt  }
0x57: {  	_ =	shalt  }
0x58: {  	_ =	shalt  }
0x59: {  	_ =	shalt  }
0x5a: {  	_ =	shalt  }
0x5b: {  	_ =	shalt  }
0x5c: {  	_ =	shalt  }
0x5d: {  	_ =	shalt  }
0x5e: {  	_ =	shalt  }
0x5f: {  	_ =	shalt  }
0x60: {  	_ =	shalt  }
0x61: {  	_ =	shalt  }
0x62: {  	_ =	shalt  }
0x63: {  	_ =	shalt  }
0x64: {  	_ =	shalt  }
0x65: {  	_ =	shalt  }
0x66: {  	_ =	shalt  }
0x67: {  	_ =	shalt  }
0x68: {  	_ =	shalt  }
0x69: {  	_ =	shalt  }
0x6a: {  	_ =	shalt  }
0x6b: {  	_ =	shalt  }
0x6c: {  	_ =	shalt  }
0x6d: {  	_ =	shalt  }
0x6e: {  	_ =	shalt  }
0x6f: {  	_ =	shalt  }
0x70: {  	_ =	shalt  }
0x71: {  	_ =	shalt  }
0x72: {  	_ =	shalt  }
0x73: {  	_ =	shalt  }
0x74: {  	_ =	shalt  }
0x75: {  	_ =	shalt  }
0x76: {  	_ =	shalt  }
0x77: {  	_ =	shalt  }
0x78: {  	_ =	shalt  }
0x79: {  	_ =	shalt  }
0x7a: {  	_ =	shalt  }
0x7b: {  	_ =	shalt  }
0x7c: {  	_ =	shalt  }
0x7d: {  	_ =	shalt  }
0x7e: {  	_ =	shalt  }
0x7f: {  	_ =	shalt  }
0x80: {  	_ =	shalt  }
0x81: {  	_ =	shalt  }
0x82: {  	_ =	shalt  }
0x83: {  	_ =	shalt  }
0x84: {  	_ =	shalt  }
0x85: {  	_ =	shalt  }
0x86: {  	_ =	shalt  }
0x87: {  	_ =	shalt  }
.Lfunc_end0:
.L_simem_size_0:
called_computation_lowered:
.L_overlay_start_0:
0x88: {  	s0 =	sld [smem:$0x3FD9]  }
0x89: {  	s1 =	sld [smem:$0x3FFE];
	_ =	sdelay $0x3  }
0x8a: {  	s0 =	sadd.s32 s1, s0  }
0x8b: {  	[smem:$0x3FC5] =	sst s0  }
0x8c: {  	_ = 	snop  }
0x8d: {  	(tm) =	ssettm $0x1  }
0x8e: {  	s15 =	sld [smem:$0x3FFB];
	_ =	sdelay $0x3  }
0x8f: {  	_ =	strace s15  }
0x90: {  	s0 =	sld [smem:$0x3FFC];
	_ =	sdelay $0x3  }
0x91: {  	_ =	strace s0  }
0x92: {  	s0 =	sld [smem:$0x3FFD];
	_ =	sdelay $0x3  }
0x93: {  	_ =	strace s0  }
0x94: {  	_ =	strace $0x8FFFFFFF  }
0x95: {  	s16 =	sld [smem:$0x3FDB];
	_ =	sdelay $0x1  }
0x96: {  	s17 =	simm.s32 $_scs_section_size  }
0x97: {  	s2 =	simm.s32 $_size__tile_overlayer_lowered;
	s3 =	simm.s32 $_tile_overlayer_lowered  }
0x98: {  	s20 =	simm.s32 $0x1BFF;
	s19 =	sshll.u32 s3, $0x1;
	s0 =	sadd.s32 s17, s16  }
0x99: {  	s4 =	simm.s32 $0x0;
	s18 =	sshll.u32 s2, $0x1;
	s2 =	sadd.s32 s19, s0  }
0x9a: {  	[timem:s4], [sflag:s20] =	dma.local [hbm:s2], s18  }
0x9b: {  	_ =	swait.ge [sflag:s20], s18  }
0x9c: {  	s1 =	ssub.s32 $0x0, s18;
	[sflag:s20] =	ssyncset.done $0x0  }
0x9d: {  	[sflag:s20] =	ssyncadd.s32 s1;
	_ =	sdelay $0x1  }
0x9e: {  	s21 =	simm.s32 $0x1B8B  }
0x9f: {  	_ =	swait.ge [sflag:s21], $0x1  }
0xa0: {  	[sflag:s21] =	ssyncset.done $0x0  }
0xa1: {  	s23 =	simm.s32 $0x1B8E;
	s22 =	sld [smem:$0x3FFE];
	[sflag:s21] =	ssyncadd.s32 $0xFFFFFFFF  }
0xa2: {  	s24 =	simm.s32 $execute0_lowered;
	[smem:$0x3FD2] =	sst s23  }
0xa3: {  	s2 =	sshll.u32 s24, $0x1;
	_ =	strace $0x80000046;
	[dreg:$0x1] =	wrdreg $0xFFFFFFFF  }
0xa4: {  	s25 =	simm.s32 $_size_execute0_lowered;
	s0 =	sadd.s32 s0, s2;
	[dreg:$0x0] =	wrdreg $0x0  }
0xa5: {  	s2 =	sshll.u32 s25, $0x1;
	[dreg:$0x2] =	wrdreg s0  }
0xa6: {  	[dreg:$0x3] =	wrdreg s2  }
0xa7: {  	[dreg:$0x4] =	wrdreg $0xC0  }
0xa8: {  	_ =	task [dreg:s4], $0x5FFFF  }
0xa9: {  	[dreg:$0x1] =	wrdreg $0xFFFFFFFF  }
0xaa: {  	[dreg:$0x0] =	wrdreg $0x60  }
0xab: {  	[dreg:$0x2] =	wrdreg s22  }
0xac: {  	[dreg:$0x3] =	wrdreg $0x9  }
0xad: {  	_ =	task.clear_ibuf [dreg:s4], $0x4FFFF;
	_ =	strace $0x90000046  }
0xae: {  	s26 =	simm.s32 $0x9;
	_ =	strace $0x80000048  }
0xaf: {  	_ =	swait.ge [sflag:s26], $0x1  }
0xb0: {  	[sflag:s26] =	ssyncadd.s32 $0xFFFFFFFF  }
0xb1: {  	_ =	strace $0x90000048  }
0xb2: {  	_ =	sfence  }
0xb3: {  	s28 =	sld [smem:$0x0];
	_ =	sdelay $0x1  }
0xb4: {  	s29 =	srdreg.scid  }
0xb5: {  	s30 =	sshll.u32 s29, $0xD;
	s31 =	sshrl.u32 s29, $0x2  }
0xb6: {  	s1 =	sand.u32 $0x1, s29;
	s2 =	sand.u32 $0x4000, s30;
	s0 =	sadd.s32 s31, s28  }
0xb7: {  	s1 =	sor.u32 s2, s1;
	s0 =	sshll.u32 s0, $0x11  }
0xb8: {  	s0 =	sor.u32 s0, s1  }
0xb9: {  	s0 =	sadd.s32 $0x8F2B, s0  }
0xba: {  	[sflag:s0] =	ssyncadd.remote.s32 $0x1  }
0xbb: {  	_ =	sfence.sel $0xFFFF  }
0xbc: {  	[dreg:$0x0] =	wrdreg $0xFFFFFFFF;
	(pc) =	sbr.abs _section_cstart, $3  }
0xbd: {  	[dreg:$0x1] =	wrdreg $0xFFFFFFFF  }
0xbe: {  	_ =	task.clear_ibuf [dreg:s4], $0x2FFFF;
	_ =	strace $0x9FFFFFFF  }
0xbf: {  	(tm) =	ssettm $0x7FFFFFFF  }
tec
execute0_lowered:
.L_overlay_start_1:
0x0: {  	(tag) =	ssettag $0x1  }
0x1: {  	s2 =	rddreg [dreg:$0x0]  }
0x2: {  	s0 =	rddreg [dreg:$0x1];
	_ =	strace $0x80000047;
	s3 =	stileid.u32  }
0x3: {  	s4 =	simm.s32 $0x3E;
	s1 =	sadd.s32 $0x104000, s2;
	p0 =	sne.s32 s3, $0x0  }
0x4: {  	[sflag:s4] =	ssyncpa.u1 $0x0;
	s5 =	simm.s32 @!p0 $0x1C3E;
	s6 =	simm.s32 @!p0 $0x0  }
0x5: {  	[spmem:s6], [sflag:s5] =	dma.local @!p0 [hbm:s1], $0x280  }
0x6: {  	s5 =	simm.s32 @!p0 $0x3E  }
0x7: {  	_ =	swait.ge @!p0 [sflag:s5], $0x280  }
0x8: {  	[sflag:s5] =	ssyncset.done @!p0 $0x0  }
0x9: {  	[sflag:s5] =	ssyncadd.s32 @!p0 $0xFFFFFD80  }
0xa: {  	s28 =	simm.s32 $0x1;
	s29 =	simm.s32 $0x2;
	[bflag:$0x0] =	sbarrier.arrive $0xFFFF  }
0xb: {  	s7 =	simm.s32 $0x1140;
	s3 =	sshll.u32 s3, $0x9;
	[sflag:s4] =	ssyncpa.u1 $0x1  }
0xc: {  	s30 =	sadd.s32 $0x102000, s2;
	s31 =	sadd.s32 s2, s3;
	[sflag:s28] =	ssyncpa.u1 $0x0  }
0xd: {  	s2 =	simm.s32 $0x0;
	(ifvalue) =	ssetifvalue $0x1400;
	[sflag:s29] =	ssyncpa.u1 $0x0  }
0xe: {  	[tilespmem:s7], [sflag:$0x2] =	stream.linear.gather [hbm4b:s31+s2], $0x1000, $0x38;
	[tilespmem:$0x4140] =	vst v63  }
0xf: {  	s5 =	sadd.s32 s30, s3;
	s3 =	simm.s32 $0x3140  }
0x10: {  	[tilespmem:s3], [sflag:$0x2] =	stream.linear.gather [hbm4b:s5+s2], $0x1000, $0x38;
	[tilespmem:$0x4140] =	vst v63  }
0x11: {  	_ =	swait.ge [sflag:s29], $0x2000  }
0x12: {  	[sflag:s29] =	ssyncset.done $0x0  }
0x13: {  	[sflag:s29] =	ssyncadd.s32 $0xFFFFE000  }
0x14: {  	v0 =	vld.msk [tilespmem:s7+$0x0 ss:$0x1], $0xffff;
	_ =	sdelay $0x4  }
0x15: {  	v0 =	vmin.u32 v0, $0x1400;
	_ =	sdelay $0x3  }
0x16: {  	vm0 =	vmmov $0xffff;
	s4 =	simm.s32 $0x0;
	s5 =	simm.s32 $0x1150  }
0x17: {  	[spmem:s2] =	stream.indirect_vreg.scatter.add.s32 [tilespmem:s3], [sflag:$0x1], $0x1, v0, vm0, $0x4038;
	[tilespmem:$0x4140] =	vst v63  }
.LBB2_1:
0x18: {  	v0 =	vld.msk [tilespmem:s5+$0x0 ss:$0x1], $0xffff;
	s4 =	sadd.s32 $0x10, s4  }
0x19: {  	p1 =	slt.u32 s4, $0xFF0;
	_ =	sdelay $0x4  }
0x1a: {  	v0 =	vmin.u32 v0, $0x1400  }
.Ltmp0:
0x1b: {  	(pc) =	sbr.rel @p1 .LBB2_1-.Ltmp0, $3  }
0x1c: {  	_ =	sdelay $0x1  }
0x1d: {  	s5 =	sadd.s32 $0x10, s5;
	s3 =	sadd.s32 $0x10, s3  }
0x1e: {  	[spmem:s2] =	stream.indirect_vreg.scatter.add.s32 [tilespmem:s3], [sflag:$0x1], $0x1, v0, vm0, $0x4038;
	[tilespmem:$0x4140] =	vst v63  }
0x1f: {  	s2 =	simm.s32 $0x1  }
0x20: {  	_ =	swait.ge [sflag:s2], $0x1000  }
0x21: {  	[sflag:s2] =	ssyncset.done $0x0  }
0x22: {  	[sflag:s2] =	ssyncadd.s32 $0xFFFFF000  }
0x23: {  	_ =	sfence.sel $0x180000  }
0x24: {  	s3 =	simm.s32 $0x2;
	[bflag:$0x0] =	sbarrier.arrive $0xFFFF  }
0x25: {  	[sflag:s3] =	ssyncpa.u1 $0x1  }
0x26: {  	[sflag:s2] =	ssyncpa.u1 $0x1  }
0x27: {  	_ =	sfence.stream.spmem  }
0x28: {  	s31 =	simm.s32 $0x3D;
	[bflag:$0x0] =	sbarrier.arrive $0xFFFF  }
0x29: {  	s2 =	simm.s32 @p0 $0x3D;
	[sflag:s31] =	ssyncpa.u1 $0x0  }
0x2a: {  	[sflag:s2] =	ssyncpa.u1 @p0 $0x1  }
0x2b: {  	[bflag:$0x0] =	sbarrier.arrive @p0 $0xFFFF  }
0x2c: {  	_ =	strace @p0 $0x90000047  }
0x2d: {  	s3 =	simm.s32 @!p0 $0x1C3D;
	s2 =	simm.s32 @!p0 $0x0;
	[bflag:$0x2] =	sbarrier.arrive @p0 $0xFFFF  }
0x2e: {  	[hbm:s1], [sflag:s3] =	dma.local @!p0 [spmem:s2], $0x280  }
0x2f: {  	s1 =	simm.s32 @!p0 $0x3D  }
0x30: {  	_ =	swait.ge @!p0 [sflag:s1], $0x280  }
0x31: {  	[sflag:s1] =	ssyncset.done @!p0 $0x0  }
0x32: {  	[sflag:s1] =	ssyncadd.s32 @!p0 $0xFFFFFD80  }
0x33: {  	[sflag:s1] =	ssyncpa.u1 @!p0 $0x1  }
0x34: {  	[bflag:$0x0] =	sbarrier.arrive @!p0 $0xFFFF  }
0x35: {  	_ =	strace @!p0 $0x90000047  }
0x36: {  	s0 =	sadd.s32 @!p0 $0x100000, s0;
	[bflag:$0x2] =	sbarrier.arrive @!p0 $0xFFFF  }
0x37: {  	[sflag:s0] =	ssyncadd.tile.s32 @!p0 $0x1;
	_ =	shalt  }
.Lfunc_end2:
_tile_overlayer_lowered:
.L_overlay_start_2:
0x38: {  	(tag) =	ssettag $0x2  }
0x39: {  	s0 =	rddreg [dreg:$0x0];
	s2 =	stileid.u32  }
0x3a: {  	s1 =	rddreg [dreg:$0x1];
	p0 =	sne.s32 s2, $0x0  }
0x3b: {  	s3 =	rddreg [dreg:$0x2];
	[bflag:$0x3] =	sbarrier.arrive $0xFFFF;
	s2 =	simm.s32 @!p0 $0x1C01  }
0x3c: {  	[timem:s3], [sflag:s2] =	dma.local @!p0 [hbm:s0], s1  }
0x3d: {  	s0 =	simm.s32 @!p0 $0x1  }
0x3e: {  	_ =	swait.ge @!p0 [sflag:s0], s1  }
0x3f: {  	s1 =	ssub.s32 @!p0 $0x0, s1;
	[sflag:s0] =	ssyncset.done @!p0 $0x0  }
0x40: {  	[sflag:s0] =	ssyncadd.s32 @!p0 s1  }
0x41: {  	[bflag:$0x3] =	sbarrier.arrive $0xFFFF  }
0x42: {  	_ =	shalt  }

</sc_bundles>
